<compile_context>
chip_gen: v7x
topology: tpu7x:2x2x1
jax: 0.10.2.dev20260603
libtpu: 0.0.44.dev20260713+nightly
codegen_flags: <defaults>
</compile_context>

<pallas_src>
import functools

import jax
import jax.numpy as jnp
from jax import lax
from jax.experimental import pallas as pl
from jax.experimental.pallas import tpu as pltpu
from jax.experimental.pallas import tpu_sc as plsc

_SEQ_LEN = 8192
_OUT_DIM = 1024
_NC = 2
_NS = 16
_NW = _NC * _NS
_ROWS_PER_W = _SEQ_LEN // _NW


_BUF_ROWS = 56
_CHUNKS = [56, 56, 56, 56, 32]
_OFFS = [0, 56, 112, 168, 224]
_NCHUNKS = len(_CHUNKS)
_NBUF = 2


def _make_sc_copy():
    mesh = plsc.VectorSubcoreMesh(core_axis_name="c", subcore_axis_name="s")

    @functools.partial(
        pl.kernel,
        mesh=mesh,
        out_type=jax.ShapeDtypeStruct((_SEQ_LEN, _OUT_DIM), jnp.float32),
        scratch_types=[
            pltpu.VMEM((_NBUF, _BUF_ROWS, _OUT_DIM), jnp.float32),
            pltpu.SemaphoreType.DMA,
            pltpu.SemaphoreType.DMA,
        ],
    )
    def copy_k(table_hbm, out_hbm, buf, gsem, ssem):
        wid = lax.axis_index("s") * _NC + lax.axis_index("c")
        base = wid * _ROWS_PER_W

        def gather(i):
            return pltpu.async_copy(
                table_hbm.at[pl.ds(base + _OFFS[i], _CHUNKS[i])],
                buf.at[i % _NBUF, pl.ds(0, _CHUNKS[i])],
                gsem,
            )

        def scatter(i):
            return pltpu.async_copy(
                buf.at[i % _NBUF, pl.ds(0, _CHUNKS[i])],
                out_hbm.at[pl.ds(base + _OFFS[i], _CHUNKS[i])],
                ssem,
            )

        gathers = [None] * _NCHUNKS
        scatters = [None] * _NCHUNKS
        for i in range(_NCHUNKS + 1):
            if i < _NCHUNKS:
                if i >= _NBUF:
                    scatters[i - _NBUF].wait()
                gathers[i] = gather(i)
            if i >= 1:
                gathers[i - 1].wait()
                scatters[i - 1] = scatter(i - 1)
        for i in range(max(0, _NCHUNKS - _NBUF), _NCHUNKS):
            scatters[i].wait()

    return copy_k


_sc_copy = _make_sc_copy()


@jax.jit
def kernel(inputs, pos_table):
    del inputs
    return _sc_copy(pos_table)

# --- scband reference (transcript-rebuilt; emitter-appended) ---
"""Pipeline reference for scband-position-embedding-layer-14894946583262 (READ-ONLY COPY).

The authoritative reference and input builder live on the scoring server;
editing this copy changes nothing except your own understanding.
"""

import jax, jax.numpy as jnp
import numpy as np

SEQ_LEN = 8192
OUT_DIM = 1024
BATCH = 4

def setup_inputs(seed: int = 0) -> dict:
    key = jax.random.key(seed)
    k1, k2 = jax.random.split(key)
    inputs = jax.random.randint(k1, (BATCH, SEQ_LEN), 0, SEQ_LEN, dtype=jnp.int64 if jax.config.jax_enable_x64 else jnp.int32).astype(jnp.int32)
    pos_table = jax.random.normal(k2, (SEQ_LEN, OUT_DIM), dtype=jnp.float32)
    return {"inputs": inputs, "pos_table": pos_table}

def reference(inputs, pos_table):
    # PositionEmbeddingLayer.call: position_indices = range(shape(inputs)[1]);
    # embedded_indices = Embedding(sequence_length, output_dim)(position_indices)
    position_indices = jnp.arange(inputs.shape[1])
    embedded_indices = jnp.take(pos_table, position_indices, axis=0)
    return embedded_indices

if __name__ == "__main__":
    import jax
    _d = setup_inputs()
    print(jax.jit(kernel)(*tuple(_d.values())))

</pallas_src>

<mosaic_0001>
#map = affine_map<(d0, d1) -> (0, 0)>
module attributes {stable_mosaic.version = 14 : i64} {
  func.func @copy_k(%arg0: i32, %arg1: i32, %arg2: memref<8192x1024xf32, #tpu.memory_space<hbm>>, %arg3: memref<8192x1024xf32, #tpu.memory_space<hbm>>, %arg4: memref<2x56x1024xf32, #tpu.memory_space<vmem>>, %arg5: memref<!tpu.dma_semaphore, #tpu.memory_space<semaphore_mem>>, %arg6: memref<!tpu.dma_semaphore, #tpu.memory_space<semaphore_mem>>) attributes {dimension_semantics = [#tpu.dimension_semantics<core_parallel>, #tpu.dimension_semantics<subcore_parallel>], iteration_bounds = array<i64: 2, 16>, scalar_prefetch = 0 : i64, scratch_operands = 3 : i64, tpu.core_type = #tpu.core_type<sc_vector_subcore>, window_params = [{transform_indices = #map}, {transform_indices = #map}]} {
    %mul3A = arith.constant 2 : i32
    %mul3A_0 = arith.muli %arg1, %mul3A : i32
    %add3A = arith.addi %mul3A_0, %arg0 : i32
    %mul3A_1 = arith.constant 256 : i32
    %mul3A_2 = arith.muli %add3A, %mul3A_1 : i32
    %add3A_3 = arith.constant 0 : i32
    %add3A_4 = arith.addi %mul3A_2, %add3A_3 : i32
    %dma_start3A = arith.constant 0 : i32
    %dma_start3A_5 = arith.constant 0 : i32
    %dma_start3A_6 = arith.constant 0 : i32
    %dma_start3A_7 = tpu.memref_slice %arg4[%dma_start3A, %dma_start3A_5, %dma_start3A_6] : memref<2x56x1024xf32, #tpu.memory_space<vmem>> -> memref<1x56x1024xf32, #tpu.memory_space<vmem>>
    %dma_start3A_8 = tpu.memref_squeeze %dma_start3A_7 : memref<1x56x1024xf32, #tpu.memory_space<vmem>> -> memref<56x1024xf32, #tpu.memory_space<vmem>>
    %dma_start3A_9 = arith.constant 0 : i32
    %dma_start3A_10 = tpu.memref_slice %arg2[%add3A_4, %dma_start3A_9] : memref<8192x1024xf32, #tpu.memory_space<hbm>> -> memref<56x1024xf32, #tpu.memory_space<hbm>>
    %dma_start3A_11 = arith.constant 0 : i32
    %dma_start3A_12 = arith.constant 0 : i32
    %dma_start3A_13 = tpu.memref_slice %arg4[%dma_start3A, %dma_start3A_11, %dma_start3A_12] : memref<2x56x1024xf32, #tpu.memory_space<vmem>> -> memref<1x56x1024xf32, #tpu.memory_space<vmem>>
    %dma_start3A_14 = tpu.memref_squeeze %dma_start3A_13 : memref<1x56x1024xf32, #tpu.memory_space<vmem>> -> memref<56x1024xf32, #tpu.memory_space<vmem>>
    %dma_start3A_15 = arith.constant 0 : i32
    %dma_start3A_16 = tpu.memref_slice %arg2[%add3A_4, %dma_start3A_15] : memref<8192x1024xf32, #tpu.memory_space<hbm>> -> memref<56x1024xf32, #tpu.memory_space<hbm>>
    tpu.enqueue_dma source(%dma_start3A_16 : memref<56x1024xf32, #tpu.memory_space<hbm>>) target(%dma_start3A_14 : memref<56x1024xf32, #tpu.memory_space<vmem>>) target_semaphore(%arg5 : memref<!tpu.dma_semaphore, #tpu.memory_space<semaphore_mem>>)
    %add3A_17 = arith.constant 56 : i32
    %add3A_18 = arith.addi %mul3A_2, %add3A_17 : i32
    %dma_start3A_19 = arith.constant 1 : i32
    %dma_start3A_20 = arith.constant 0 : i32
    %dma_start3A_21 = arith.constant 0 : i32
    %dma_start3A_22 = tpu.memref_slice %arg4[%dma_start3A_19, %dma_start3A_20, %dma_start3A_21] : memref<2x56x1024xf32, #tpu.memory_space<vmem>> -> memref<1x56x1024xf32, #tpu.memory_space<vmem>>
    %dma_start3A_23 = tpu.memref_squeeze %dma_start3A_22 : memref<1x56x1024xf32, #tpu.memory_space<vmem>> -> memref<56x1024xf32, #tpu.memory_space<vmem>>
    %dma_start3A_24 = arith.constant 0 : i32
    %dma_start3A_25 = tpu.memref_slice %arg2[%add3A_18, %dma_start3A_24] : memref<8192x1024xf32, #tpu.memory_space<hbm>> -> memref<56x1024xf32, #tpu.memory_space<hbm>>
    %dma_start3A_26 = arith.constant 0 : i32
    %dma_start3A_27 = arith.constant 0 : i32
    %dma_start3A_28 = tpu.memref_slice %arg4[%dma_start3A_19, %dma_start3A_26, %dma_start3A_27] : memref<2x56x1024xf32, #tpu.memory_space<vmem>> -> memref<1x56x1024xf32, #tpu.memory_space<vmem>>
    %dma_start3A_29 = tpu.memref_squeeze %dma_start3A_28 : memref<1x56x1024xf32, #tpu.memory_space<vmem>> -> memref<56x1024xf32, #tpu.memory_space<vmem>>
    %dma_start3A_30 = arith.constant 0 : i32
    %dma_start3A_31 = tpu.memref_slice %arg2[%add3A_18, %dma_start3A_30] : memref<8192x1024xf32, #tpu.memory_space<hbm>> -> memref<56x1024xf32, #tpu.memory_space<hbm>>
    tpu.enqueue_dma source(%dma_start3A_31 : memref<56x1024xf32, #tpu.memory_space<hbm>>) target(%dma_start3A_29 : memref<56x1024xf32, #tpu.memory_space<vmem>>) target_semaphore(%arg5 : memref<!tpu.dma_semaphore, #tpu.memory_space<semaphore_mem>>)
    %dma_wait3A = arith.constant 0 : i32
    %dma_wait3A_32 = arith.constant 0 : i32
    %dma_wait3A_33 = arith.constant 0 : i32
    %dma_wait3A_34 = tpu.memref_slice %arg4[%dma_wait3A, %dma_wait3A_32, %dma_wait3A_33] : memref<2x56x1024xf32, #tpu.memory_space<vmem>> -> memref<1x56x1024xf32, #tpu.memory_space<vmem>>
    %dma_wait3A_35 = tpu.memref_squeeze %dma_wait3A_34 : memref<1x56x1024xf32, #tpu.memory_space<vmem>> -> memref<56x1024xf32, #tpu.memory_space<vmem>>
    %dma_wait3A_36 = arith.constant 0 : i32
    %dma_wait3A_37 = tpu.memref_slice %arg2[%add3A_4, %dma_wait3A_36] : memref<8192x1024xf32, #tpu.memory_space<hbm>> -> memref<56x1024xf32, #tpu.memory_space<hbm>>
    %dma_wait3A_38 = arith.constant 0 : i32
    %dma_wait3A_39 = arith.constant 0 : i32
    %dma_wait3A_40 = tpu.memref_slice %arg4[%dma_wait3A, %dma_wait3A_38, %dma_wait3A_39] : memref<2x56x1024xf32, #tpu.memory_space<vmem>> -> memref<1x56x1024xf32, #tpu.memory_space<vmem>>
    %dma_wait3A_41 = tpu.memref_squeeze %dma_wait3A_40 : memref<1x56x1024xf32, #tpu.memory_space<vmem>> -> memref<56x1024xf32, #tpu.memory_space<vmem>>
    %dma_wait3A_42 = arith.constant 0 : i32
    %dma_wait3A_43 = tpu.memref_slice %arg2[%add3A_4, %dma_wait3A_42] : memref<8192x1024xf32, #tpu.memory_space<hbm>> -> memref<56x1024xf32, #tpu.memory_space<hbm>>
    tpu.wait_dma2 semaphore(%arg5 : memref<!tpu.dma_semaphore, #tpu.memory_space<semaphore_mem>>) src(%dma_wait3A_43 : memref<56x1024xf32, #tpu.memory_space<hbm>>) dst(%dma_wait3A_41 : memref<56x1024xf32, #tpu.memory_space<vmem>>)
    %add3A_44 = arith.constant 0 : i32
    %add3A_45 = arith.addi %mul3A_2, %add3A_44 : i32
    %dma_start3A_46 = arith.constant 0 : i32
    %dma_start3A_47 = arith.constant 0 : i32
    %dma_start3A_48 = arith.constant 0 : i32
    %dma_start3A_49 = tpu.memref_slice %arg4[%dma_start3A_46, %dma_start3A_47, %dma_start3A_48] : memref<2x56x1024xf32, #tpu.memory_space<vmem>> -> memref<1x56x1024xf32, #tpu.memory_space<vmem>>
    %dma_start3A_50 = tpu.memref_squeeze %dma_start3A_49 : memref<1x56x1024xf32, #tpu.memory_space<vmem>> -> memref<56x1024xf32, #tpu.memory_space<vmem>>
    %dma_start3A_51 = arith.constant 0 : i32
    %dma_start3A_52 = tpu.memref_slice %arg3[%add3A_45, %dma_start3A_51] : memref<8192x1024xf32, #tpu.memory_space<hbm>> -> memref<56x1024xf32, #tpu.memory_space<hbm>>
    %dma_start3A_53 = arith.constant 0 : i32
    %dma_start3A_54 = tpu.memref_slice %arg3[%add3A_45, %dma_start3A_53] : memref<8192x1024xf32, #tpu.memory_space<hbm>> -> memref<56x1024xf32, #tpu.memory_space<hbm>>
    %dma_start3A_55 = arith.constant 0 : i32
    %dma_start3A_56 = arith.constant 0 : i32
    %dma_start3A_57 = tpu.memref_slice %arg4[%dma_start3A_46, %dma_start3A_55, %dma_start3A_56] : memref<2x56x1024xf32, #tpu.memory_space<vmem>> -> memref<1x56x1024xf32, #tpu.memory_space<vmem>>
    %dma_start3A_58 = tpu.memref_squeeze %dma_start3A_57 : memref<1x56x1024xf32, #tpu.memory_space<vmem>> -> memref<56x1024xf32, #tpu.memory_space<vmem>>
    tpu.enqueue_dma source(%dma_start3A_58 : memref<56x1024xf32, #tpu.memory_space<vmem>>) target(%dma_start3A_54 : memref<56x1024xf32, #tpu.memory_space<hbm>>) target_semaphore(%arg6 : memref<!tpu.dma_semaphore, #tpu.memory_space<semaphore_mem>>)
    %dma_wait3A_59 = arith.constant 0 : i32
    %dma_wait3A_60 = arith.constant 0 : i32
    %dma_wait3A_61 = arith.constant 0 : i32
    %dma_wait3A_62 = tpu.memref_slice %arg4[%dma_wait3A_59, %dma_wait3A_60, %dma_wait3A_61] : memref<2x56x1024xf32, #tpu.memory_space<vmem>> -> memref<1x56x1024xf32, #tpu.memory_space<vmem>>
    %dma_wait3A_63 = tpu.memref_squeeze %dma_wait3A_62 : memref<1x56x1024xf32, #tpu.memory_space<vmem>> -> memref<56x1024xf32, #tpu.memory_space<vmem>>
    %dma_wait3A_64 = arith.constant 0 : i32
    %dma_wait3A_65 = tpu.memref_slice %arg3[%add3A_45, %dma_wait3A_64] : memref<8192x1024xf32, #tpu.memory_space<hbm>> -> memref<56x1024xf32, #tpu.memory_space<hbm>>
    %dma_wait3A_66 = arith.constant 0 : i32
    %dma_wait3A_67 = tpu.memref_slice %arg3[%add3A_45, %dma_wait3A_66] : memref<8192x1024xf32, #tpu.memory_space<hbm>> -> memref<56x1024xf32, #tpu.memory_space<hbm>>
    %dma_wait3A_68 = arith.constant 0 : i32
    %dma_wait3A_69 = arith.constant 0 : i32
    %dma_wait3A_70 = tpu.memref_slice %arg4[%dma_wait3A_59, %dma_wait3A_68, %dma_wait3A_69] : memref<2x56x1024xf32, #tpu.memory_space<vmem>> -> memref<1x56x1024xf32, #tpu.memory_space<vmem>>
    %dma_wait3A_71 = tpu.memref_squeeze %dma_wait3A_70 : memref<1x56x1024xf32, #tpu.memory_space<vmem>> -> memref<56x1024xf32, #tpu.memory_space<vmem>>
    tpu.wait_dma2 semaphore(%arg6 : memref<!tpu.dma_semaphore, #tpu.memory_space<semaphore_mem>>) src(%dma_wait3A_71 : memref<56x1024xf32, #tpu.memory_space<vmem>>) dst(%dma_wait3A_67 : memref<56x1024xf32, #tpu.memory_space<hbm>>)
    %add3A_72 = arith.constant 112 : i32
    %add3A_73 = arith.addi %mul3A_2, %add3A_72 : i32
    %dma_start3A_74 = arith.constant 0 : i32
    %dma_start3A_75 = arith.constant 0 : i32
    %dma_start3A_76 = arith.constant 0 : i32
    %dma_start3A_77 = tpu.memref_slice %arg4[%dma_start3A_74, %dma_start3A_75, %dma_start3A_76] : memref<2x56x1024xf32, #tpu.memory_space<vmem>> -> memref<1x56x1024xf32, #tpu.memory_space<vmem>>
    %dma_start3A_78 = tpu.memref_squeeze %dma_start3A_77 : memref<1x56x1024xf32, #tpu.memory_space<vmem>> -> memref<56x1024xf32, #tpu.memory_space<vmem>>
    %dma_start3A_79 = arith.constant 0 : i32
    %dma_start3A_80 = tpu.memref_slice %arg2[%add3A_73, %dma_start3A_79] : memref<8192x1024xf32, #tpu.memory_space<hbm>> -> memref<56x1024xf32, #tpu.memory_space<hbm>>
    %dma_start3A_81 = arith.constant 0 : i32
    %dma_start3A_82 = arith.constant 0 : i32
    %dma_start3A_83 = tpu.memref_slice %arg4[%dma_start3A_74, %dma_start3A_81, %dma_start3A_82] : memref<2x56x1024xf32, #tpu.memory_space<vmem>> -> memref<1x56x1024xf32, #tpu.memory_space<vmem>>
    %dma_start3A_84 = tpu.memref_squeeze %dma_start3A_83 : memref<1x56x1024xf32, #tpu.memory_space<vmem>> -> memref<56x1024xf32, #tpu.memory_space<vmem>>
    %dma_start3A_85 = arith.constant 0 : i32
    %dma_start3A_86 = tpu.memref_slice %arg2[%add3A_73, %dma_start3A_85] : memref<8192x1024xf32, #tpu.memory_space<hbm>> -> memref<56x1024xf32, #tpu.memory_space<hbm>>
    tpu.enqueue_dma source(%dma_start3A_86 : memref<56x1024xf32, #tpu.memory_space<hbm>>) target(%dma_start3A_84 : memref<56x1024xf32, #tpu.memory_space<vmem>>) target_semaphore(%arg5 : memref<!tpu.dma_semaphore, #tpu.memory_space<semaphore_mem>>)
    %dma_wait3A_87 = arith.constant 1 : i32
    %dma_wait3A_88 = arith.constant 0 : i32
    %dma_wait3A_89 = arith.constant 0 : i32
    %dma_wait3A_90 = tpu.memref_slice %arg4[%dma_wait3A_87, %dma_wait3A_88, %dma_wait3A_89] : memref<2x56x1024xf32, #tpu.memory_space<vmem>> -> memref<1x56x1024xf32, #tpu.memory_space<vmem>>
    %dma_wait3A_91 = tpu.memref_squeeze %dma_wait3A_90 : memref<1x56x1024xf32, #tpu.memory_space<vmem>> -> memref<56x1024xf32, #tpu.memory_space<vmem>>
    %dma_wait3A_92 = arith.constant 0 : i32
    %dma_wait3A_93 = tpu.memref_slice %arg2[%add3A_18, %dma_wait3A_92] : memref<8192x1024xf32, #tpu.memory_space<hbm>> -> memref<56x1024xf32, #tpu.memory_space<hbm>>
    %dma_wait3A_94 = arith.constant 0 : i32
    %dma_wait3A_95 = arith.constant 0 : i32
    %dma_wait3A_96 = tpu.memref_slice %arg4[%dma_wait3A_87, %dma_wait3A_94, %dma_wait3A_95] : memref<2x56x1024xf32, #tpu.memory_space<vmem>> -> memref<1x56x1024xf32, #tpu.memory_space<vmem>>
    %dma_wait3A_97 = tpu.memref_squeeze %dma_wait3A_96 : memref<1x56x1024xf32, #tpu.memory_space<vmem>> -> memref<56x1024xf32, #tpu.memory_space<vmem>>
    %dma_wait3A_98 = arith.constant 0 : i32
    %dma_wait3A_99 = tpu.memref_slice %arg2[%add3A_18, %dma_wait3A_98] : memref<8192x1024xf32, #tpu.memory_space<hbm>> -> memref<56x1024xf32, #tpu.memory_space<hbm>>
    tpu.wait_dma2 semaphore(%arg5 : memref<!tpu.dma_semaphore, #tpu.memory_space<semaphore_mem>>) src(%dma_wait3A_99 : memref<56x1024xf32, #tpu.memory_space<hbm>>) dst(%dma_wait3A_97 : memref<56x1024xf32, #tpu.memory_space<vmem>>)
    %add3A_100 = arith.constant 56 : i32
    %add3A_101 = arith.addi %mul3A_2, %add3A_100 : i32
    %dma_start3A_102 = arith.constant 1 : i32
    %dma_start3A_103 = arith.constant 0 : i32
    %dma_start3A_104 = arith.constant 0 : i32
    %dma_start3A_105 = tpu.memref_slice %arg4[%dma_start3A_102, %dma_start3A_103, %dma_start3A_104] : memref<2x56x1024xf32, #tpu.memory_space<vmem>> -> memref<1x56x1024xf32, #tpu.memory_space<vmem>>
    %dma_start3A_106 = tpu.memref_squeeze %dma_start3A_105 : memref<1x56x1024xf32, #tpu.memory_space<vmem>> -> memref<56x1024xf32, #tpu.memory_space<vmem>>
    %dma_start3A_107 = arith.constant 0 : i32
    %dma_start3A_108 = tpu.memref_slice %arg3[%add3A_101, %dma_start3A_107] : memref<8192x1024xf32, #tpu.memory_space<hbm>> -> memref<56x1024xf32, #tpu.memory_space<hbm>>
    %dma_start3A_109 = arith.constant 0 : i32
    %dma_start3A_110 = tpu.memref_slice %arg3[%add3A_101, %dma_start3A_109] : memref<8192x1024xf32, #tpu.memory_space<hbm>> -> memref<56x1024xf32, #tpu.memory_space<hbm>>
    %dma_start3A_111 = arith.constant 0 : i32
    %dma_start3A_112 = arith.constant 0 : i32
    %dma_start3A_113 = tpu.memref_slice %arg4[%dma_start3A_102, %dma_start3A_111, %dma_start3A_112] : memref<2x56x1024xf32, #tpu.memory_space<vmem>> -> memref<1x56x1024xf32, #tpu.memory_space<vmem>>
    %dma_start3A_114 = tpu.memref_squeeze %dma_start3A_113 : memref<1x56x1024xf32, #tpu.memory_space<vmem>> -> memref<56x1024xf32, #tpu.memory_space<vmem>>
    tpu.enqueue_dma source(%dma_start3A_114 : memref<56x1024xf32, #tpu.memory_space<vmem>>) target(%dma_start3A_110 : memref<56x1024xf32, #tpu.memory_space<hbm>>) target_semaphore(%arg6 : memref<!tpu.dma_semaphore, #tpu.memory_space<semaphore_mem>>)
    %dma_wait3A_115 = arith.constant 1 : i32
    %dma_wait3A_116 = arith.constant 0 : i32
    %dma_wait3A_117 = arith.constant 0 : i32
    %dma_wait3A_118 = tpu.memref_slice %arg4[%dma_wait3A_115, %dma_wait3A_116, %dma_wait3A_117] : memref<2x56x1024xf32, #tpu.memory_space<vmem>> -> memref<1x56x1024xf32, #tpu.memory_space<vmem>>
    %dma_wait3A_119 = tpu.memref_squeeze %dma_wait3A_118 : memref<1x56x1024xf32, #tpu.memory_space<vmem>> -> memref<56x1024xf32, #tpu.memory_space<vmem>>
    %dma_wait3A_120 = arith.constant 0 : i32
    %dma_wait3A_121 = tpu.memref_slice %arg3[%add3A_101, %dma_wait3A_120] : memref<8192x1024xf32, #tpu.memory_space<hbm>> -> memref<56x1024xf32, #tpu.memory_space<hbm>>
    %dma_wait3A_122 = arith.constant 0 : i32
    %dma_wait3A_123 = tpu.memref_slice %arg3[%add3A_101, %dma_wait3A_122] : memref<8192x1024xf32, #tpu.memory_space<hbm>> -> memref<56x1024xf32, #tpu.memory_space<hbm>>
    %dma_wait3A_124 = arith.constant 0 : i32
    %dma_wait3A_125 = arith.constant 0 : i32
    %dma_wait3A_126 = tpu.memref_slice %arg4[%dma_wait3A_115, %dma_wait3A_124, %dma_wait3A_125] : memref<2x56x1024xf32, #tpu.memory_space<vmem>> -> memref<1x56x1024xf32, #tpu.memory_space<vmem>>
    %dma_wait3A_127 = tpu.memref_squeeze %dma_wait3A_126 : memref<1x56x1024xf32, #tpu.memory_space<vmem>> -> memref<56x1024xf32, #tpu.memory_space<vmem>>
    tpu.wait_dma2 semaphore(%arg6 : memref<!tpu.dma_semaphore, #tpu.memory_space<semaphore_mem>>) src(%dma_wait3A_127 : memref<56x1024xf32, #tpu.memory_space<vmem>>) dst(%dma_wait3A_123 : memref<56x1024xf32, #tpu.memory_space<hbm>>)
    %add3A_128 = arith.constant 168 : i32
    %add3A_129 = arith.addi %mul3A_2, %add3A_128 : i32
    %dma_start3A_130 = arith.constant 1 : i32
    %dma_start3A_131 = arith.constant 0 : i32
    %dma_start3A_132 = arith.constant 0 : i32
    %dma_start3A_133 = tpu.memref_slice %arg4[%dma_start3A_130, %dma_start3A_131, %dma_start3A_132] : memref<2x56x1024xf32, #tpu.memory_space<vmem>> -> memref<1x56x1024xf32, #tpu.memory_space<vmem>>
    %dma_start3A_134 = tpu.memref_squeeze %dma_start3A_133 : memref<1x56x1024xf32, #tpu.memory_space<vmem>> -> memref<56x1024xf32, #tpu.memory_space<vmem>>
    %dma_start3A_135 = arith.constant 0 : i32
    %dma_start3A_136 = tpu.memref_slice %arg2[%add3A_129, %dma_start3A_135] : memref<8192x1024xf32, #tpu.memory_space<hbm>> -> memref<56x1024xf32, #tpu.memory_space<hbm>>
    %dma_start3A_137 = arith.constant 0 : i32
    %dma_start3A_138 = arith.constant 0 : i32
    %dma_start3A_139 = tpu.memref_slice %arg4[%dma_start3A_130, %dma_start3A_137, %dma_start3A_138] : memref<2x56x1024xf32, #tpu.memory_space<vmem>> -> memref<1x56x1024xf32, #tpu.memory_space<vmem>>
    %dma_start3A_140 = tpu.memref_squeeze %dma_start3A_139 : memref<1x56x1024xf32, #tpu.memory_space<vmem>> -> memref<56x1024xf32, #tpu.memory_space<vmem>>
    %dma_start3A_141 = arith.constant 0 : i32
    %dma_start3A_142 = tpu.memref_slice %arg2[%add3A_129, %dma_start3A_141] : memref<8192x1024xf32, #tpu.memory_space<hbm>> -> memref<56x1024xf32, #tpu.memory_space<hbm>>
    tpu.enqueue_dma source(%dma_start3A_142 : memref<56x1024xf32, #tpu.memory_space<hbm>>) target(%dma_start3A_140 : memref<56x1024xf32, #tpu.memory_space<vmem>>) target_semaphore(%arg5 : memref<!tpu.dma_semaphore, #tpu.memory_space<semaphore_mem>>)
    %dma_wait3A_143 = arith.constant 0 : i32
    %dma_wait3A_144 = arith.constant 0 : i32
    %dma_wait3A_145 = arith.constant 0 : i32
    %dma_wait3A_146 = tpu.memref_slice %arg4[%dma_wait3A_143, %dma_wait3A_144, %dma_wait3A_145] : memref<2x56x1024xf32, #tpu.memory_space<vmem>> -> memref<1x56x1024xf32, #tpu.memory_space<vmem>>
    %dma_wait3A_147 = tpu.memref_squeeze %dma_wait3A_146 : memref<1x56x1024xf32, #tpu.memory_space<vmem>> -> memref<56x1024xf32, #tpu.memory_space<vmem>>
    %dma_wait3A_148 = arith.constant 0 : i32
    %dma_wait3A_149 = tpu.memref_slice %arg2[%add3A_73, %dma_wait3A_148] : memref<8192x1024xf32, #tpu.memory_space<hbm>> -> memref<56x1024xf32, #tpu.memory_space<hbm>>
    %dma_wait3A_150 = arith.constant 0 : i32
    %dma_wait3A_151 = arith.constant 0 : i32
    %dma_wait3A_152 = tpu.memref_slice %arg4[%dma_wait3A_143, %dma_wait3A_150, %dma_wait3A_151] : memref<2x56x1024xf32, #tpu.memory_space<vmem>> -> memref<1x56x1024xf32, #tpu.memory_space<vmem>>
    %dma_wait3A_153 = tpu.memref_squeeze %dma_wait3A_152 : memref<1x56x1024xf32, #tpu.memory_space<vmem>> -> memref<56x1024xf32, #tpu.memory_space<vmem>>
    %dma_wait3A_154 = arith.constant 0 : i32
    %dma_wait3A_155 = tpu.memref_slice %arg2[%add3A_73, %dma_wait3A_154] : memref<8192x1024xf32, #tpu.memory_space<hbm>> -> memref<56x1024xf32, #tpu.memory_space<hbm>>
    tpu.wait_dma2 semaphore(%arg5 : memref<!tpu.dma_semaphore, #tpu.memory_space<semaphore_mem>>) src(%dma_wait3A_155 : memref<56x1024xf32, #tpu.memory_space<hbm>>) dst(%dma_wait3A_153 : memref<56x1024xf32, #tpu.memory_space<vmem>>)
    %add3A_156 = arith.constant 112 : i32
    %add3A_157 = arith.addi %mul3A_2, %add3A_156 : i32
    %dma_start3A_158 = arith.constant 0 : i32
    %dma_start3A_159 = arith.constant 0 : i32
    %dma_start3A_160 = arith.constant 0 : i32
    %dma_start3A_161 = tpu.memref_slice %arg4[%dma_start3A_158, %dma_start3A_159, %dma_start3A_160] : memref<2x56x1024xf32, #tpu.memory_space<vmem>> -> memref<1x56x1024xf32, #tpu.memory_space<vmem>>
    %dma_start3A_162 = tpu.memref_squeeze %dma_start3A_161 : memref<1x56x1024xf32, #tpu.memory_space<vmem>> -> memref<56x1024xf32, #tpu.memory_space<vmem>>
    %dma_start3A_163 = arith.constant 0 : i32
    %dma_start3A_164 = tpu.memref_slice %arg3[%add3A_157, %dma_start3A_163] : memref<8192x1024xf32, #tpu.memory_space<hbm>> -> memref<56x1024xf32, #tpu.memory_space<hbm>>
    %dma_start3A_165 = arith.constant 0 : i32
    %dma_start3A_166 = tpu.memref_slice %arg3[%add3A_157, %dma_start3A_165] : memref<8192x1024xf32, #tpu.memory_space<hbm>> -> memref<56x1024xf32, #tpu.memory_space<hbm>>
    %dma_start3A_167 = arith.constant 0 : i32
    %dma_start3A_168 = arith.constant 0 : i32
    %dma_start3A_169 = tpu.memref_slice %arg4[%dma_start3A_158, %dma_start3A_167, %dma_start3A_168] : memref<2x56x1024xf32, #tpu.memory_space<vmem>> -> memref<1x56x1024xf32, #tpu.memory_space<vmem>>
    %dma_start3A_170 = tpu.memref_squeeze %dma_start3A_169 : memref<1x56x1024xf32, #tpu.memory_space<vmem>> -> memref<56x1024xf32, #tpu.memory_space<vmem>>
    tpu.enqueue_dma source(%dma_start3A_170 : memref<56x1024xf32, #tpu.memory_space<vmem>>) target(%dma_start3A_166 : memref<56x1024xf32, #tpu.memory_space<hbm>>) target_semaphore(%arg6 : memref<!tpu.dma_semaphore, #tpu.memory_space<semaphore_mem>>)
    %dma_wait3A_171 = arith.constant 0 : i32
    %dma_wait3A_172 = arith.constant 0 : i32
    %dma_wait3A_173 = arith.constant 0 : i32
    %dma_wait3A_174 = tpu.memref_slice %arg4[%dma_wait3A_171, %dma_wait3A_172, %dma_wait3A_173] : memref<2x56x1024xf32, #tpu.memory_space<vmem>> -> memref<1x56x1024xf32, #tpu.memory_space<vmem>>
    %dma_wait3A_175 = tpu.memref_squeeze %dma_wait3A_174 : memref<1x56x1024xf32, #tpu.memory_space<vmem>> -> memref<56x1024xf32, #tpu.memory_space<vmem>>
    %dma_wait3A_176 = arith.constant 0 : i32
    %dma_wait3A_177 = tpu.memref_slice %arg3[%add3A_157, %dma_wait3A_176] : memref<8192x1024xf32, #tpu.memory_space<hbm>> -> memref<56x1024xf32, #tpu.memory_space<hbm>>
    %dma_wait3A_178 = arith.constant 0 : i32
    %dma_wait3A_179 = tpu.memref_slice %arg3[%add3A_157, %dma_wait3A_178] : memref<8192x1024xf32, #tpu.memory_space<hbm>> -> memref<56x1024xf32, #tpu.memory_space<hbm>>
    %dma_wait3A_180 = arith.constant 0 : i32
    %dma_wait3A_181 = arith.constant 0 : i32
    %dma_wait3A_182 = tpu.memref_slice %arg4[%dma_wait3A_171, %dma_wait3A_180, %dma_wait3A_181] : memref<2x56x1024xf32, #tpu.memory_space<vmem>> -> memref<1x56x1024xf32, #tpu.memory_space<vmem>>
    %dma_wait3A_183 = tpu.memref_squeeze %dma_wait3A_182 : memref<1x56x1024xf32, #tpu.memory_space<vmem>> -> memref<56x1024xf32, #tpu.memory_space<vmem>>
    tpu.wait_dma2 semaphore(%arg6 : memref<!tpu.dma_semaphore, #tpu.memory_space<semaphore_mem>>) src(%dma_wait3A_183 : memref<56x1024xf32, #tpu.memory_space<vmem>>) dst(%dma_wait3A_179 : memref<56x1024xf32, #tpu.memory_space<hbm>>)
    %add3A_184 = arith.constant 224 : i32
    %add3A_185 = arith.addi %mul3A_2, %add3A_184 : i32
    %dma_start3A_186 = arith.constant 0 : i32
    %dma_start3A_187 = arith.constant 0 : i32
    %dma_start3A_188 = arith.constant 0 : i32
    %dma_start3A_189 = tpu.memref_slice %arg4[%dma_start3A_186, %dma_start3A_187, %dma_start3A_188] : memref<2x56x1024xf32, #tpu.memory_space<vmem>> -> memref<1x32x1024xf32, #tpu.memory_space<vmem>>
    %dma_start3A_190 = tpu.memref_squeeze %dma_start3A_189 : memref<1x32x1024xf32, #tpu.memory_space<vmem>> -> memref<32x1024xf32, #tpu.memory_space<vmem>>
    %dma_start3A_191 = arith.constant 0 : i32
    %dma_start3A_192 = tpu.memref_slice %arg2[%add3A_185, %dma_start3A_191] : memref<8192x1024xf32, #tpu.memory_space<hbm>> -> memref<32x1024xf32, #tpu.memory_space<hbm>>
    %dma_start3A_193 = arith.constant 0 : i32
    %dma_start3A_194 = arith.constant 0 : i32
    %dma_start3A_195 = tpu.memref_slice %arg4[%dma_start3A_186, %dma_start3A_193, %dma_start3A_194] : memref<2x56x1024xf32, #tpu.memory_space<vmem>> -> memref<1x32x1024xf32, #tpu.memory_space<vmem>>
    %dma_start3A_196 = tpu.memref_squeeze %dma_start3A_195 : memref<1x32x1024xf32, #tpu.memory_space<vmem>> -> memref<32x1024xf32, #tpu.memory_space<vmem>>
    %dma_start3A_197 = arith.constant 0 : i32
    %dma_start3A_198 = tpu.memref_slice %arg2[%add3A_185, %dma_start3A_197] : memref<8192x1024xf32, #tpu.memory_space<hbm>> -> memref<32x1024xf32, #tpu.memory_space<hbm>>
    tpu.enqueue_dma source(%dma_start3A_198 : memref<32x1024xf32, #tpu.memory_space<hbm>>) target(%dma_start3A_196 : memref<32x1024xf32, #tpu.memory_space<vmem>>) target_semaphore(%arg5 : memref<!tpu.dma_semaphore, #tpu.memory_space<semaphore_mem>>)
    %dma_wait3A_199 = arith.constant 1 : i32
    %dma_wait3A_200 = arith.constant 0 : i32
    %dma_wait3A_201 = arith.constant 0 : i32
    %dma_wait3A_202 = tpu.memref_slice %arg4[%dma_wait3A_199, %dma_wait3A_200, %dma_wait3A_201] : memref<2x56x1024xf32, #tpu.memory_space<vmem>> -> memref<1x56x1024xf32, #tpu.memory_space<vmem>>
    %dma_wait3A_203 = tpu.memref_squeeze %dma_wait3A_202 : memref<1x56x1024xf32, #tpu.memory_space<vmem>> -> memref<56x1024xf32, #tpu.memory_space<vmem>>
    %dma_wait3A_204 = arith.constant 0 : i32
    %dma_wait3A_205 = tpu.memref_slice %arg2[%add3A_129, %dma_wait3A_204] : memref<8192x1024xf32, #tpu.memory_space<hbm>> -> memref<56x1024xf32, #tpu.memory_space<hbm>>
    %dma_wait3A_206 = arith.constant 0 : i32
    %dma_wait3A_207 = arith.constant 0 : i32
    %dma_wait3A_208 = tpu.memref_slice %arg4[%dma_wait3A_199, %dma_wait3A_206, %dma_wait3A_207] : memref<2x56x1024xf32, #tpu.memory_space<vmem>> -> memref<1x56x1024xf32, #tpu.memory_space<vmem>>
    %dma_wait3A_209 = tpu.memref_squeeze %dma_wait3A_208 : memref<1x56x1024xf32, #tpu.memory_space<vmem>> -> memref<56x1024xf32, #tpu.memory_space<vmem>>
    %dma_wait3A_210 = arith.constant 0 : i32
    %dma_wait3A_211 = tpu.memref_slice %arg2[%add3A_129, %dma_wait3A_210] : memref<8192x1024xf32, #tpu.memory_space<hbm>> -> memref<56x1024xf32, #tpu.memory_space<hbm>>
    tpu.wait_dma2 semaphore(%arg5 : memref<!tpu.dma_semaphore, #tpu.memory_space<semaphore_mem>>) src(%dma_wait3A_211 : memref<56x1024xf32, #tpu.memory_space<hbm>>) dst(%dma_wait3A_209 : memref<56x1024xf32, #tpu.memory_space<vmem>>)
    %add3A_212 = arith.constant 168 : i32
    %add3A_213 = arith.addi %mul3A_2, %add3A_212 : i32
    %dma_start3A_214 = arith.constant 1 : i32
    %dma_start3A_215 = arith.constant 0 : i32
    %dma_start3A_216 = arith.constant 0 : i32
    %dma_start3A_217 = tpu.memref_slice %arg4[%dma_start3A_214, %dma_start3A_215, %dma_start3A_216] : memref<2x56x1024xf32, #tpu.memory_space<vmem>> -> memref<1x56x1024xf32, #tpu.memory_space<vmem>>
    %dma_start3A_218 = tpu.memref_squeeze %dma_start3A_217 : memref<1x56x1024xf32, #tpu.memory_space<vmem>> -> memref<56x1024xf32, #tpu.memory_space<vmem>>
    %dma_start3A_219 = arith.constant 0 : i32
    %dma_start3A_220 = tpu.memref_slice %arg3[%add3A_213, %dma_start3A_219] : memref<8192x1024xf32, #tpu.memory_space<hbm>> -> memref<56x1024xf32, #tpu.memory_space<hbm>>
    %dma_start3A_221 = arith.constant 0 : i32
    %dma_start3A_222 = tpu.memref_slice %arg3[%add3A_213, %dma_start3A_221] : memref<8192x1024xf32, #tpu.memory_space<hbm>> -> memref<56x1024xf32, #tpu.memory_space<hbm>>
    %dma_start3A_223 = arith.constant 0 : i32
    %dma_start3A_224 = arith.constant 0 : i32
    %dma_start3A_225 = tpu.memref_slice %arg4[%dma_start3A_214, %dma_start3A_223, %dma_start3A_224] : memref<2x56x1024xf32, #tpu.memory_space<vmem>> -> memref<1x56x1024xf32, #tpu.memory_space<vmem>>
    %dma_start3A_226 = tpu.memref_squeeze %dma_start3A_225 : memref<1x56x1024xf32, #tpu.memory_space<vmem>> -> memref<56x1024xf32, #tpu.memory_space<vmem>>
    tpu.enqueue_dma source(%dma_start3A_226 : memref<56x1024xf32, #tpu.memory_space<vmem>>) target(%dma_start3A_222 : memref<56x1024xf32, #tpu.memory_space<hbm>>) target_semaphore(%arg6 : memref<!tpu.dma_semaphore, #tpu.memory_space<semaphore_mem>>)
    %dma_wait3A_227 = arith.constant 0 : i32
    %dma_wait3A_228 = arith.constant 0 : i32
    %dma_wait3A_229 = arith.constant 0 : i32
    %dma_wait3A_230 = tpu.memref_slice %arg4[%dma_wait3A_227, %dma_wait3A_228, %dma_wait3A_229] : memref<2x56x1024xf32, #tpu.memory_space<vmem>> -> memref<1x32x1024xf32, #tpu.memory_space<vmem>>
    %dma_wait3A_231 = tpu.memref_squeeze %dma_wait3A_230 : memref<1x32x1024xf32, #tpu.memory_space<vmem>> -> memref<32x1024xf32, #tpu.memory_space<vmem>>
    %dma_wait3A_232 = arith.constant 0 : i32
    %dma_wait3A_233 = tpu.memref_slice %arg2[%add3A_185, %dma_wait3A_232] : memref<8192x1024xf32, #tpu.memory_space<hbm>> -> memref<32x1024xf32, #tpu.memory_space<hbm>>
    %dma_wait3A_234 = arith.constant 0 : i32
    %dma_wait3A_235 = arith.constant 0 : i32
    %dma_wait3A_236 = tpu.memref_slice %arg4[%dma_wait3A_227, %dma_wait3A_234, %dma_wait3A_235] : memref<2x56x1024xf32, #tpu.memory_space<vmem>> -> memref<1x32x1024xf32, #tpu.memory_space<vmem>>
    %dma_wait3A_237 = tpu.memref_squeeze %dma_wait3A_236 : memref<1x32x1024xf32, #tpu.memory_space<vmem>> -> memref<32x1024xf32, #tpu.memory_space<vmem>>
    %dma_wait3A_238 = arith.constant 0 : i32
    %dma_wait3A_239 = tpu.memref_slice %arg2[%add3A_185, %dma_wait3A_238] : memref<8192x1024xf32, #tpu.memory_space<hbm>> -> memref<32x1024xf32, #tpu.memory_space<hbm>>
    tpu.wait_dma2 semaphore(%arg5 : memref<!tpu.dma_semaphore, #tpu.memory_space<semaphore_mem>>) src(%dma_wait3A_239 : memref<32x1024xf32, #tpu.memory_space<hbm>>) dst(%dma_wait3A_237 : memref<32x1024xf32, #tpu.memory_space<vmem>>)
    %add3A_240 = arith.constant 224 : i32
    %add3A_241 = arith.addi %mul3A_2, %add3A_240 : i32
    %dma_start3A_242 = arith.constant 0 : i32
    %dma_start3A_243 = arith.constant 0 : i32
    %dma_start3A_244 = arith.constant 0 : i32
    %dma_start3A_245 = tpu.memref_slice %arg4[%dma_start3A_242, %dma_start3A_243, %dma_start3A_244] : memref<2x56x1024xf32, #tpu.memory_space<vmem>> -> memref<1x32x1024xf32, #tpu.memory_space<vmem>>
    %dma_start3A_246 = tpu.memref_squeeze %dma_start3A_245 : memref<1x32x1024xf32, #tpu.memory_space<vmem>> -> memref<32x1024xf32, #tpu.memory_space<vmem>>
    %dma_start3A_247 = arith.constant 0 : i32
    %dma_start3A_248 = tpu.memref_slice %arg3[%add3A_241, %dma_start3A_247] : memref<8192x1024xf32, #tpu.memory_space<hbm>> -> memref<32x1024xf32, #tpu.memory_space<hbm>>
    %dma_start3A_249 = arith.constant 0 : i32
    %dma_start3A_250 = tpu.memref_slice %arg3[%add3A_241, %dma_start3A_249] : memref<8192x1024xf32, #tpu.memory_space<hbm>> -> memref<32x1024xf32, #tpu.memory_space<hbm>>
    %dma_start3A_251 = arith.constant 0 : i32
    %dma_start3A_252 = arith.constant 0 : i32
    %dma_start3A_253 = tpu.memref_slice %arg4[%dma_start3A_242, %dma_start3A_251, %dma_start3A_252] : memref<2x56x1024xf32, #tpu.memory_space<vmem>> -> memref<1x32x1024xf32, #tpu.memory_space<vmem>>
    %dma_start3A_254 = tpu.memref_squeeze %dma_start3A_253 : memref<1x32x1024xf32, #tpu.memory_space<vmem>> -> memref<32x1024xf32, #tpu.memory_space<vmem>>
    tpu.enqueue_dma source(%dma_start3A_254 : memref<32x1024xf32, #tpu.memory_space<vmem>>) target(%dma_start3A_250 : memref<32x1024xf32, #tpu.memory_space<hbm>>) target_semaphore(%arg6 : memref<!tpu.dma_semaphore, #tpu.memory_space<semaphore_mem>>)
    %dma_wait3A_255 = arith.constant 1 : i32
    %dma_wait3A_256 = arith.constant 0 : i32
    %dma_wait3A_257 = arith.constant 0 : i32
    %dma_wait3A_258 = tpu.memref_slice %arg4[%dma_wait3A_255, %dma_wait3A_256, %dma_wait3A_257] : memref<2x56x1024xf32, #tpu.memory_space<vmem>> -> memref<1x56x1024xf32, #tpu.memory_space<vmem>>
    %dma_wait3A_259 = tpu.memref_squeeze %dma_wait3A_258 : memref<1x56x1024xf32, #tpu.memory_space<vmem>> -> memref<56x1024xf32, #tpu.memory_space<vmem>>
    %dma_wait3A_260 = arith.constant 0 : i32
    %dma_wait3A_261 = tpu.memref_slice %arg3[%add3A_213, %dma_wait3A_260] : memref<8192x1024xf32, #tpu.memory_space<hbm>> -> memref<56x1024xf32, #tpu.memory_space<hbm>>
    %dma_wait3A_262 = arith.constant 0 : i32
    %dma_wait3A_263 = tpu.memref_slice %arg3[%add3A_213, %dma_wait3A_262] : memref<8192x1024xf32, #tpu.memory_space<hbm>> -> memref<56x1024xf32, #tpu.memory_space<hbm>>
    %dma_wait3A_264 = arith.constant 0 : i32
    %dma_wait3A_265 = arith.constant 0 : i32
    %dma_wait3A_266 = tpu.memref_slice %arg4[%dma_wait3A_255, %dma_wait3A_264, %dma_wait3A_265] : memref<2x56x1024xf32, #tpu.memory_space<vmem>> -> memref<1x56x1024xf32, #tpu.memory_space<vmem>>
    %dma_wait3A_267 = tpu.memref_squeeze %dma_wait3A_266 : memref<1x56x1024xf32, #tpu.memory_space<vmem>> -> memref<56x1024xf32, #tpu.memory_space<vmem>>
    tpu.wait_dma2 semaphore(%arg6 : memref<!tpu.dma_semaphore, #tpu.memory_space<semaphore_mem>>) src(%dma_wait3A_267 : memref<56x1024xf32, #tpu.memory_space<vmem>>) dst(%dma_wait3A_263 : memref<56x1024xf32, #tpu.memory_space<hbm>>)
    %dma_wait3A_268 = arith.constant 0 : i32
    %dma_wait3A_269 = arith.constant 0 : i32
    %dma_wait3A_270 = arith.constant 0 : i32
    %dma_wait3A_271 = tpu.memref_slice %arg4[%dma_wait3A_268, %dma_wait3A_269, %dma_wait3A_270] : memref<2x56x1024xf32, #tpu.memory_space<vmem>> -> memref<1x32x1024xf32, #tpu.memory_space<vmem>>
    %dma_wait3A_272 = tpu.memref_squeeze %dma_wait3A_271 : memref<1x32x1024xf32, #tpu.memory_space<vmem>> -> memref<32x1024xf32, #tpu.memory_space<vmem>>
    %dma_wait3A_273 = arith.constant 0 : i32
    %dma_wait3A_274 = tpu.memref_slice %arg3[%add3A_241, %dma_wait3A_273] : memref<8192x1024xf32, #tpu.memory_space<hbm>> -> memref<32x1024xf32, #tpu.memory_space<hbm>>
    %dma_wait3A_275 = arith.constant 0 : i32
    %dma_wait3A_276 = tpu.memref_slice %arg3[%add3A_241, %dma_wait3A_275] : memref<8192x1024xf32, #tpu.memory_space<hbm>> -> memref<32x1024xf32, #tpu.memory_space<hbm>>
    %dma_wait3A_277 = arith.constant 0 : i32
    %dma_wait3A_278 = arith.constant 0 : i32
    %dma_wait3A_279 = tpu.memref_slice %arg4[%dma_wait3A_268, %dma_wait3A_277, %dma_wait3A_278] : memref<2x56x1024xf32, #tpu.memory_space<vmem>> -> memref<1x32x1024xf32, #tpu.memory_space<vmem>>
    %dma_wait3A_280 = tpu.memref_squeeze %dma_wait3A_279 : memref<1x32x1024xf32, #tpu.memory_space<vmem>> -> memref<32x1024xf32, #tpu.memory_space<vmem>>
    tpu.wait_dma2 semaphore(%arg6 : memref<!tpu.dma_semaphore, #tpu.memory_space<semaphore_mem>>) src(%dma_wait3A_280 : memref<32x1024xf32, #tpu.memory_space<vmem>>) dst(%dma_wait3A_276 : memref<32x1024xf32, #tpu.memory_space<hbm>>)
    return
  }
}

</mosaic_0001>

<sc_bundles>
// kernel: kernel.3.cloned.1.call-start
scs
__scs_entry_jumppad:
0x0: {  	(pc) =	sbr.rel $0x88, $3  }
0x1: {  	(tag) =	ssettag $0x0;
	lr =	simm.s32 $0x1  }
0x2: {  	[smem:$0x3FA0] =	sst lr;
	_ =	strace $0xD0000000  }
0x3: {  	_ = 	snop  }
0x4: {  	_ = 	snop  }
0x5: {  	_ = 	snop  }
0x6: {  	_ = 	snop  }
0x7: {  	_ = 	snop  }
__scs_overlays_trampoline_lowered:
0x8: {  	[smem:$0x3FAF] =	sst s0  }
0x9: {  	[smem:$0x3FB0] =	sst s1  }
0xa: {  	[smem:$0x3FB1] =	sst s2  }
0xb: {  	[smem:$0x3FB2] =	sst s3  }
0xc: {  	[smem:$0x3FB3] =	sst s4  }
0xd: {  	[smem:$0x3FB4] =	sst s5  }
0xe: {  	[smem:$0x3FB5] =	sst s6  }
0xf: {  	[smem:$0x3FB6] =	sst s7  }
0x10: {  	[smem:$0x3FB7] =	sst s8  }
0x11: {  	[smem:$0x3FB8] =	sst s9;
	s0 =	simm.s32 @!p0 $0x0  }
0x12: {  	s1 =	sld [smem:$0x3F9E];
	s0 =	simm.s32 @p0 $0x1  }
0x13: {  	[smem:$0x3FB9] =	sst s0;
	s0 =	simm.s32 @!p1 $0x0  }
0x14: {  	s2 =	sld [smem:$0x3F9D];
	s0 =	simm.s32 @p1 $0x1  }
0x15: {  	[smem:$0x3FBA] =	sst s0;
	s0 =	simm.s32 @!p2 $0x0  }
0x16: {  	s3 =	sld [smem:$0x3FDB];
	s0 =	simm.s32 @p2 $0x1  }
0x17: {  	s4 =	simm.s32 $0x1BF5;
	[smem:$0x3FBC] =	sst s0  }
0x18: {  	s0 =	sld [smem:$0x3F9F];
	_ =	swait.ge [sflag:s4], $0x0  }
0x19: {  	s7 =	sld [smem:$0x3FA0]  }
0x1a: {  	s8 =	sadd.s32 $0xFFFFE003, lr  }
0x1b: {  	s9 =	sadd.s32 $0xFFFFFEF7, lr;
	s5 =	simm.s32 $0xFFFFFFFF;
	p2 =	slt.u32 s8, $0xFFFFF086  }
0x1c: {  	p1 =	slt.u32 s9, $0xF7A;
	s5 =	simm.s32 @!p2 $0x0  }
0x1d: {  	s5 =	simm.s32 @p1 $0x1;
	p0 =	seq.s32 s7, s2  }
0x1e: {  	s7 =	smul.u32 @!p0 $0xF7A, s2;
	p2 =	seq.s32 @!p0 s5, $0x0  }
0x1f: {  	s9 =	smul.u32 $0xF7A, s1;
	s8 =	simm.s32 @!p0 $0x1BF5;
	p2 =	por !p2, p0  }
0x20: {  	[sflag:s8] =	ssyncset.s32 @!p0 $0xFFFFF086;
	s6 =	sadd.s32 @!p0 s3, s7;
	s7 =	simm.s32 @!p0 $0x108  }
0x21: {  	s3 =	sadd.s32 s3, s9;
	s6 =	sadd.s32 @!p0 $0x88, s6;
	s7 =	simm.s32 @p2 $0x1082  }
0x22: {  	[simem:s7], [sflag:s8] =	dma.local @!p0 [hbm:s6], $0xF7A  }
0x23: {  	s9 =	sor.u32 $0xD0000000, s2;
	s6 =	simm.s32 $0x108;
	_ =	swait.ge @!p0 [sflag:s8], $0x0  }
0x24: {  	s3 =	sadd.s32 $0x88, s3;
	s6 =	simm.s32 @!p1 $0x1082;
	[sflag:s4] =	ssyncset.s32 $0xFFFFF086  }
0x25: {  	[simem:s6], [sflag:s4] =	dma.local [hbm:s3], $0xF7A  }
0x26: {  	[smem:$0x3FA0] =	sst s1;
	(tag) =	ssettag s2;
	_ =	strace s9  }
0x27: {  	s1 =	sld [smem:$0x3FB0]  }
0x28: {  	s2 =	sld [smem:$0x3FB1]  }
0x29: {  	s4 =	sld [smem:$0x3FB3]  }
0x2a: {  	p0 =	seq.s32 s5, $0x0;
	s5 =	sld [smem:$0x3FB4]  }
0x2b: {  	s6 =	sld [smem:$0x3FB5]  }
0x2c: {  	s7 =	sld [smem:$0x3FB6]  }
0x2d: {  	s3 =	simm.s32 $0x108;
	s8 =	sld [smem:$0x3FB7]  }
0x2e: {  	s3 =	simm.s32 @!p0 $0x1082;
	s9 =	sld [smem:$0x3FB8]  }
0x2f: {  	lr =	sadd.s32 s0, s3;
	s0 =	sld [smem:$0x3FAF]  }
0x30: {  	s3 =	sld [smem:$0x3FB2]  }
0x31: {  	[smem:$0x3FBB] =	sst s10  }
0x32: {  	s10 =	sld [smem:$0x3FB9];
	_ =	sdelay $0x3  }
0x33: {  	p0 =	seq.s32 s10, $0x1;
	s10 =	sld [smem:$0x3FBB];
	_ =	sdelay $0x3  }
0x34: {  	[smem:$0x3FBB] =	sst s10  }
0x35: {  	s10 =	sld [smem:$0x3FBA];
	_ =	sdelay $0x3  }
0x36: {  	p1 =	seq.s32 s10, $0x1;
	s10 =	sld [smem:$0x3FBB];
	_ =	sdelay $0x3  }
0x37: {  	[smem:$0x3FBB] =	sst s10  }
0x38: {  	s10 =	sld [smem:$0x3FBC]  }
0x39: {  	_ = 	snop;
	(pc) =	sbr.ind lr, $3  }
0x3a: {  	_ = 	snop  }
0x3b: {  	_ = 	snop  }
0x3c: {  	p2 =	seq.s32 s10, $0x1;
	s10 =	sld [smem:$0x3FBB]  }
0x3d: {  	_ =	shalt  }
0x3e: {  	_ =	shalt  }
0x3f: {  	_ =	shalt  }
0x40: {  	_ =	shalt  }
0x41: {  	_ =	shalt  }
0x42: {  	_ =	shalt  }
0x43: {  	_ =	shalt  }
0x44: {  	_ =	shalt  }
0x45: {  	_ =	shalt  }
0x46: {  	_ =	shalt  }
0x47: {  	_ =	shalt  }
0x48: {  	_ =	shalt  }
0x49: {  	_ =	shalt  }
0x4a: {  	_ =	shalt  }
0x4b: {  	_ =	shalt  }
0x4c: {  	_ =	shalt  }
0x4d: {  	_ =	shalt  }
0x4e: {  	_ =	shalt  }
0x4f: {  	_ =	shalt  }
0x50: {  	_ =	shalt  }
0x51: {  	_ =	shalt  }
0x52: {  	_ =	shalt  }
0x53: {  	_ =	shalt  }
0x54: {  	_ =	shalt  }
0x55: {  	_ =	shalt  }
0x56: {  	_ =	shalt  }
0x57: {  	_ =	shalt  }
0x58: {  	_ =	shalt  }
0x59: {  	_ =	shalt  }
0x5a: {  	_ =	shalt  }
0x5b: {  	_ =	shalt  }
0x5c: {  	_ =	shalt  }
0x5d: {  	_ =	shalt  }
0x5e: {  	_ =	shalt  }
0x5f: {  	_ =	shalt  }
0x60: {  	_ =	shalt  }
0x61: {  	_ =	shalt  }
0x62: {  	_ =	shalt  }
0x63: {  	_ =	shalt  }
0x64: {  	_ =	shalt  }
0x65: {  	_ =	shalt  }
0x66: {  	_ =	shalt  }
0x67: {  	_ =	shalt  }
0x68: {  	_ =	shalt  }
0x69: {  	_ =	shalt  }
0x6a: {  	_ =	shalt  }
0x6b: {  	_ =	shalt  }
0x6c: {  	_ =	shalt  }
0x6d: {  	_ =	shalt  }
0x6e: {  	_ =	shalt  }
0x6f: {  	_ =	shalt  }
0x70: {  	_ =	shalt  }
0x71: {  	_ =	shalt  }
0x72: {  	_ =	shalt  }
0x73: {  	_ =	shalt  }
0x74: {  	_ =	shalt  }
0x75: {  	_ =	shalt  }
0x76: {  	_ =	shalt  }
0x77: {  	_ =	shalt  }
0x78: {  	_ =	shalt  }
0x79: {  	_ =	shalt  }
0x7a: {  	_ =	shalt  }
0x7b: {  	_ =	shalt  }
0x7c: {  	_ =	shalt  }
0x7d: {  	_ =	shalt  }
0x7e: {  	_ =	shalt  }
0x7f: {  	_ =	shalt  }
0x80: {  	_ =	shalt  }
0x81: {  	_ =	shalt  }
0x82: {  	_ =	shalt  }
0x83: {  	_ =	shalt  }
0x84: {  	_ =	shalt  }
0x85: {  	_ =	shalt  }
0x86: {  	_ =	shalt  }
0x87: {  	_ =	shalt  }
.Lfunc_end0:
.L_simem_size_0:
called_computation_lowered:
.L_overlay_start_0:
0x88: {  	s2 =	sld [smem:$0x3FD9]  }
0x89: {  	s3 =	sld [smem:$0x3FFE];
	_ =	sdelay $0x1  }
0x8a: {  	s1 =	srdreg.scid  }
0x8b: {  	s0 =	sand.u32 $0x1, s1  }
0x8c: {  	s18 =	sshll.u32 s0, $0xA;
	s2 =	sadd.s32 s3, s2  }
0x8d: {  	s2 =	sadd.s32 s2, s18  }
0x8e: {  	[smem:$0x3FC7] =	sst s2  }
0x8f: {  	_ = 	snop  }
0x90: {  	s2 =	sld [smem:$0x3FC9]  }
0x91: {  	s19 =	sld [smem:$0x3FD0];
	(tm) =	ssettm $0x1  }
0x92: {  	s4 =	sld [smem:$0x3FFB];
	_ =	sdelay $0x3  }
0x93: {  	_ =	strace s4  }
0x94: {  	s4 =	sld [smem:$0x3FFC];
	_ =	sdelay $0x3  }
0x95: {  	_ =	strace s4  }
0x96: {  	s4 =	sld [smem:$0x3FFD];
	_ =	sdelay $0x3  }
0x97: {  	_ =	strace s4  }
0x98: {  	_ =	strace $0x8FFFFFFF  }
0x99: {  	s20 =	sld [smem:$0x3FDB];
	_ =	sdelay $0x1  }
0x9a: {  	s5 =	simm.s32 $_scs_section_size  }
0x9b: {  	s6 =	simm.s32 $_size__tile_overlayer_lowered;
	s7 =	simm.s32 $_tile_overlayer_lowered  }
0x9c: {  	s23 =	simm.s32 $0x1BFF;
	s22 =	sshll.u32 s7, $0x1;
	s4 =	sadd.s32 s5, s20  }
0x9d: {  	s8 =	simm.s32 $0x0;
	s21 =	sshll.u32 s6, $0x1;
	s6 =	sadd.s32 s22, s4  }
0x9e: {  	[timem:s8], [sflag:s23] =	dma.local [hbm:s6], s21  }
0x9f: {  	_ =	swait.ge [sflag:s23], s21  }
0xa0: {  	s5 =	ssub.s32 $0x0, s21;
	[sflag:s23] =	ssyncset.done $0x0  }
0xa1: {  	[sflag:s23] =	ssyncadd.s32 s5;
	_ =	sdelay $0x1  }
0xa2: {  	s24 =	simm.s32 $0x1B8B  }
0xa3: {  	_ =	swait.ge [sflag:s24], $0x1  }
0xa4: {  	[sflag:s24] =	ssyncset.done $0x0  }
0xa5: {  	s25 =	simm.s32 $0x1B8E;
	[sflag:s24] =	ssyncadd.s32 $0xFFFFFFFF  }
0xa6: {  	s26 =	simm.s32 $execute0_lowered;
	[smem:$0x3FD2] =	sst s25  }
0xa7: {  	s5 =	sshll.u32 s26, $0x1;
	_ =	strace $0x80000046;
	[dreg:$0x1] =	wrdreg $0xFFFFFFFF  }
0xa8: {  	s28 =	simm.s32 $_size_execute0_lowered;
	s4 =	sadd.s32 s4, s5;
	[dreg:$0x0] =	wrdreg $0x0  }
0xa9: {  	s5 =	sshll.u32 s28, $0x1;
	[dreg:$0x2] =	wrdreg s4  }
0xaa: {  	[dreg:$0x3] =	wrdreg s5  }
0xab: {  	[dreg:$0x4] =	wrdreg $0xC0  }
0xac: {  	_ =	task [dreg:s8], $0x5FFFF  }
0xad: {  	[dreg:$0x1] =	wrdreg $0xFFFFFFFF  }
0xae: {  	[dreg:$0x0] =	wrdreg $0x60  }
0xaf: {  	[dreg:$0x2] =	wrdreg s2  }
0xb0: {  	[dreg:$0x3] =	wrdreg s19  }
0xb1: {  	[dreg:$0x4] =	wrdreg $0x9  }
0xb2: {  	_ =	task.clear_ibuf [dreg:s8], $0x5FFFF;
	_ =	strace $0x90000046  }
0xb3: {  	s29 =	simm.s32 $0x9;
	_ =	strace $0x80000048  }
0xb4: {  	_ =	swait.ge [sflag:s29], $0x1  }
0xb5: {  	[sflag:s29] =	ssyncadd.s32 $0xFFFFFFFF  }
0xb6: {  	_ =	strace $0x90000048  }
0xb7: {  	_ =	sfence  }
0xb8: {  	s30 =	sld [smem:$0x0];
	_ =	sdelay $0x2  }
0xb9: {  	s31 =	sshll.u32 s1, $0xD;
	s1 =	sshrl.u32 s1, $0x2  }
0xba: {  	s3 =	sand.u32 $0x4000, s31;
	s1 =	sadd.s32 s1, s30  }
0xbb: {  	s0 =	sor.u32 s3, s0;
	s1 =	sshll.u32 s1, $0x11  }
0xbc: {  	s0 =	sor.u32 s1, s0  }
0xbd: {  	s0 =	sadd.s32 $0x8F2B, s0  }
0xbe: {  	[sflag:s0] =	ssyncadd.remote.s32 $0x1  }
0xbf: {  	_ =	sfence.sel $0xFFFF  }
0xc0: {  	[dreg:$0x0] =	wrdreg $0xFFFFFFFF;
	(pc) =	sbr.abs _section_cstart, $3  }
0xc1: {  	[dreg:$0x1] =	wrdreg $0xFFFFFFFF  }
0xc2: {  	_ =	task.clear_ibuf [dreg:s8], $0x2FFFF;
	_ =	strace $0x9FFFFFFF  }
0xc3: {  	(tm) =	ssettm $0x7FFFFFFF  }
tec
execute0_lowered:
.L_overlay_start_1:
0x0: {  	(tag) =	ssettag $0x1  }
0x1: {  	s13 =	rddreg [dreg:$0x0]  }
0x2: {  	s15 =	rddreg [dreg:$0x1];
	s2 =	srdreg.scid  }
0x3: {  	s0 =	rddreg [dreg:$0x2];
	s1 =	stileid.u32;
	s16 =	sand.u32 $0x1, s2  }
0x4: {  	s2 =	simm.s32 $0x0;
	s3 =	sshll.u32 s1, $0x10;
	s4 =	sshll.u32 s16, $0xF  }
0x5: {  	[smem:$0x7FF] =	sst s2;
	s14 =	sor.u32 s4, s3  }
0x6: {  	_ =	strace $0x80000047;
	s3 =	sadd.s32 s13, s14;
	s10 =	sor.u32 $0x1C00, s14  }
0x7: {  	[tilespmem:s2], [sflag:$0x1] =	stream.linear.gather [hbm4b:s3+s2], $0xE000, $0x38;
	[tilespmem:$0x1C000] =	vst v63  }
0x8: {  	s5 =	simm.s32 $0xE000;
	s6 =	simm.s32 $0x1;
	s4 =	sadd.s32 s13, s10  }
0x9: {  	[tilespmem:s5], [sflag:$0x1] =	stream.linear.gather [hbm4b:s4+s2], $0xE000, $0x38;
	[tilespmem:$0x1C000] =	vst v63  }
0xa: {  	_ =	swait.ge [sflag:s6], $0xE000  }
0xb: {  	[sflag:s6] =	ssyncset.done $0x0  }
0xc: {  	s7 =	simm.s32 $0x2;
	s8 =	sadd.s32 s15, s14;
	[sflag:s6] =	ssyncadd.s32 $0xFFFF2000  }
0xd: {  	[hbm4b:s8+s2] =	stream.linear.scatter [tilespmem:s2], [sflag:$0x2], $0xE000, $0x38;
	[tilespmem:$0x1C000] =	vst v63  }
0xe: {  	_ =	swait.ge [sflag:s7], $0xE000  }
0xf: {  	s12 =	sor.u32 $0x3800, s14;
	[sflag:s7] =	ssyncset.done $0x0  }
0x10: {  	s9 =	sadd.s32 s13, s12;
	[sflag:s7] =	ssyncadd.s32 $0xFFFF2000  }
0x11: {  	[tilespmem:s2], [sflag:$0x1] =	stream.linear.gather [hbm4b:s9+s2], $0xE000, $0x38;
	[tilespmem:$0x1C000] =	vst v63  }
0x12: {  	_ =	swait.ge [sflag:s6], $0xE000  }
0x13: {  	[sflag:s6] =	ssyncset.done $0x0  }
0x14: {  	s10 =	sadd.s32 s15, s10;
	[sflag:s6] =	ssyncadd.s32 $0xFFFF2000  }
0x15: {  	[hbm4b:s10+s2] =	stream.linear.scatter [tilespmem:s5], [sflag:$0x2], $0xE000, $0x38;
	[tilespmem:$0x1C000] =	vst v63  }
0x16: {  	_ =	swait.ge [sflag:s7], $0xE000  }
0x17: {  	s17 =	sor.u32 $0x5400, s14;
	[sflag:s7] =	ssyncset.done $0x0  }
0x18: {  	s11 =	sadd.s32 s13, s17;
	[sflag:s7] =	ssyncadd.s32 $0xFFFF2000  }
0x19: {  	[tilespmem:s5], [sflag:$0x1] =	stream.linear.gather [hbm4b:s11+s2], $0xE000, $0x38;
	[tilespmem:$0x1C000] =	vst v63  }
0x1a: {  	_ =	swait.ge [sflag:s6], $0xE000  }
0x1b: {  	[sflag:s6] =	ssyncset.done $0x0  }
0x1c: {  	s12 =	sadd.s32 s15, s12;
	[sflag:s6] =	ssyncadd.s32 $0xFFFF2000  }
0x1d: {  	[hbm4b:s12+s2] =	stream.linear.scatter [tilespmem:s2], [sflag:$0x2], $0xE000, $0x38;
	[tilespmem:$0x1C000] =	vst v63  }
0x1e: {  	_ =	swait.ge [sflag:s7], $0xE000  }
0x1f: {  	s18 =	sor.u32 $0x7000, s14;
	[sflag:s7] =	ssyncset.done $0x0  }
0x20: {  	s13 =	sadd.s32 s13, s18;
	[sflag:s7] =	ssyncadd.s32 $0xFFFF2000  }
0x21: {  	[tilespmem:s2], [sflag:$0x1] =	stream.linear.gather [hbm4b:s13+s2], $0x8000, $0x38;
	[tilespmem:$0x1C000] =	vst v63  }
0x22: {  	_ =	swait.ge [sflag:s6], $0xE000  }
0x23: {  	s16 =	ssub.s32 $0x2, s16;
	[sflag:s6] =	ssyncset.done $0x0  }
0x24: {  	s31 =	sshrl.u32 s16, $0x1;
	s14 =	sadd.s32 s15, s17;
	[sflag:s6] =	ssyncadd.s32 $0xFFFF2000  }
0x25: {  	[hbm4b:s14+s2] =	stream.linear.scatter [tilespmem:s5], [sflag:$0x2], $0xE000, $0x38;
	[tilespmem:$0x1C000] =	vst v63  }
0x26: {  	s16 =	ssub.s32 s16, s31;
	_ =	swait.ge [sflag:s6], $0x8000  }
0x27: {  	s16 =	smax.u32 s16, $0x1;
	[sflag:s6] =	ssyncset.done $0x0  }
0x28: {  	s15 =	sadd.s32 s15, s18;
	p0 =	sne.s32 s16, $0x1;
	[sflag:s6] =	ssyncadd.s32 $0xFFFF8000  }
0x29: {  	[hbm4b:s15+s2] =	stream.linear.scatter [tilespmem:s2], [sflag:$0x2], $0x8000, $0x38;
	[tilespmem:$0x1C000] =	vst v63  }
.Ltmp0:
0x2a: {  	_ =	swait.ge [sflag:s7], $0xE000;
	(pc) =	sbr.rel @!p0 .LBB2_2-.Ltmp0, $4  }
0x2b: {  	[sflag:s7] =	ssyncset.done $0x0  }
0x2c: {  	[sflag:s7] =	ssyncadd.s32 $0xFFFF2000  }
0x2d: {  	_ =	swait.ge [sflag:s7], $0x8000  }
0x2e: {  	s16 =	sadd.s32 $0xFFFFFFFF, s16;
	[sflag:s7] =	ssyncset.done $0x0  }
.LBB2_1:
0x2f: {  	p0 =	sne.s32 s16, $0x1;
	s16 =	sadd.s32 $0xFFFFFFFF, s16;
	[sflag:s7] =	ssyncadd.s32 $0xFFFF8000  }
0x30: {  	[tilespmem:s2], [sflag:$0x1] =	stream.linear.gather [hbm4b:s3+s2], $0xE000, $0x38;
	[tilespmem:$0x1C000] =	vst v63  }
0x31: {  	_ = 	snop  }
0x32: {  	[tilespmem:s5], [sflag:$0x1] =	stream.linear.gather [hbm4b:s4+s2], $0xE000, $0x38;
	[tilespmem:$0x1C000] =	vst v63  }
0x33: {  	_ =	swait.ge [sflag:s6], $0xE000  }
0x34: {  	[sflag:s6] =	ssyncset.done $0x0  }
0x35: {  	[sflag:s6] =	ssyncadd.s32 $0xFFFF2000  }
0x36: {  	[hbm4b:s8+s2] =	stream.linear.scatter [tilespmem:s2], [sflag:$0x2], $0xE000, $0x38;
	[tilespmem:$0x1C000] =	vst v63  }
0x37: {  	_ =	swait.ge [sflag:s7], $0xE000  }
0x38: {  	[sflag:s7] =	ssyncset.done $0x0  }
0x39: {  	[sflag:s7] =	ssyncadd.s32 $0xFFFF2000  }
0x3a: {  	[tilespmem:s2], [sflag:$0x1] =	stream.linear.gather [hbm4b:s9+s2], $0xE000, $0x38;
	[tilespmem:$0x1C000] =	vst v63  }
0x3b: {  	_ =	swait.ge [sflag:s6], $0xE000  }
0x3c: {  	[sflag:s6] =	ssyncset.done $0x0  }
0x3d: {  	[sflag:s6] =	ssyncadd.s32 $0xFFFF2000  }
0x3e: {  	[hbm4b:s10+s2] =	stream.linear.scatter [tilespmem:s5], [sflag:$0x2], $0xE000, $0x38;
	[tilespmem:$0x1C000] =	vst v63  }
0x3f: {  	_ =	swait.ge [sflag:s7], $0xE000  }
0x40: {  	[sflag:s7] =	ssyncset.done $0x0  }
0x41: {  	[sflag:s7] =	ssyncadd.s32 $0xFFFF2000  }
0x42: {  	[tilespmem:s5], [sflag:$0x1] =	stream.linear.gather [hbm4b:s11+s2], $0xE000, $0x38;
	[tilespmem:$0x1C000] =	vst v63  }
0x43: {  	_ =	swait.ge [sflag:s6], $0xE000  }
0x44: {  	[sflag:s6] =	ssyncset.done $0x0  }
0x45: {  	[sflag:s6] =	ssyncadd.s32 $0xFFFF2000  }
0x46: {  	[hbm4b:s12+s2] =	stream.linear.scatter [tilespmem:s2], [sflag:$0x2], $0xE000, $0x38;
	[tilespmem:$0x1C000] =	vst v63  }
0x47: {  	_ =	swait.ge [sflag:s7], $0xE000  }
0x48: {  	[sflag:s7] =	ssyncset.done $0x0  }
0x49: {  	[sflag:s7] =	ssyncadd.s32 $0xFFFF2000  }
0x4a: {  	[tilespmem:s2], [sflag:$0x1] =	stream.linear.gather [hbm4b:s13+s2], $0x8000, $0x38;
	[tilespmem:$0x1C000] =	vst v63  }
0x4b: {  	_ =	swait.ge [sflag:s6], $0xE000  }
0x4c: {  	[sflag:s6] =	ssyncset.done $0x0  }
0x4d: {  	[sflag:s6] =	ssyncadd.s32 $0xFFFF2000  }
0x4e: {  	[hbm4b:s14+s2] =	stream.linear.scatter [tilespmem:s5], [sflag:$0x2], $0xE000, $0x38;
	[tilespmem:$0x1C000] =	vst v63  }
0x4f: {  	_ =	swait.ge [sflag:s6], $0x8000  }
0x50: {  	[sflag:s6] =	ssyncset.done $0x0  }
0x51: {  	[sflag:s6] =	ssyncadd.s32 $0xFFFF8000  }
0x52: {  	[hbm4b:s15+s2] =	stream.linear.scatter [tilespmem:s2], [sflag:$0x2], $0x8000, $0x38;
	[tilespmem:$0x1C000] =	vst v63  }
.Ltmp1:
0x53: {  	_ =	swait.ge [sflag:s7], $0xE000;
	(pc) =	sbr.rel @p0 .LBB2_1-.Ltmp1, $4  }
0x54: {  	[sflag:s7] =	ssyncset.done $0x0  }
0x55: {  	[sflag:s7] =	ssyncadd.s32 $0xFFFF2000  }
0x56: {  	_ =	swait.ge [sflag:s7], $0x8000  }
0x57: {  	[sflag:s7] =	ssyncset.done $0x0  }
.LBB2_2:
0x58: {  	[sflag:s7] =	ssyncadd.s32 $0xFFFF8000  }
0x59: {  	_ =	sfence.sel $0x180000  }
0x5a: {  	[bflag:$0x0] =	sbarrier.arrive $0xFFFF  }
0x5b: {  	p0 =	sne.s32 s1, $0x0;
	_ =	strace $0x90000047  }
0x5c: {  	s0 =	sadd.s32 @!p0 $0x100000, s0;
	[bflag:$0x2] =	sbarrier.arrive $0xFFFF  }
0x5d: {  	[sflag:s0] =	ssyncadd.tile.s32 @!p0 $0x1;
	_ =	shalt  }
.Lfunc_end2:
_tile_overlayer_lowered:
.L_overlay_start_2:
0x5e: {  	(tag) =	ssettag $0x2  }
0x5f: {  	s0 =	rddreg [dreg:$0x0];
	s2 =	stileid.u32  }
0x60: {  	s1 =	rddreg [dreg:$0x1];
	p0 =	sne.s32 s2, $0x0  }
0x61: {  	s3 =	rddreg [dreg:$0x2];
	[bflag:$0x3] =	sbarrier.arrive $0xFFFF;
	s2 =	simm.s32 @!p0 $0x1C03  }
0x62: {  	[timem:s3], [sflag:s2] =	dma.local @!p0 [hbm:s0], s1  }
0x63: {  	s0 =	simm.s32 @!p0 $0x3  }
0x64: {  	_ =	swait.ge @!p0 [sflag:s0], s1  }
0x65: {  	s1 =	ssub.s32 @!p0 $0x0, s1;
	[sflag:s0] =	ssyncset.done @!p0 $0x0  }
0x66: {  	[sflag:s0] =	ssyncadd.s32 @!p0 s1  }
0x67: {  	[bflag:$0x3] =	sbarrier.arrive $0xFFFF  }
0x68: {  	_ =	shalt  }

</sc_bundles>
